<compile_context>
chip_gen: v7x
topology: tpu7x:2x2x1
jax: 0.10.2.dev20260603
libtpu: 0.0.44.dev20260713+nightly
codegen_flags: <defaults>
</compile_context>

<pallas_src>
import jax
import jax.numpy as jnp
from jax import lax
from jax.experimental import pallas as pl
from jax.experimental.pallas import tpu as pltpu
from jax.experimental.pallas import tpu_sc as plsc

VOCAB = 1000000
B = 16384
S = 50
SF = 56
D = 64
DP = 128
NC, NS = 2, 16
NW = NC * NS
R_TOTAL = B * SF
R_PER_W = R_TOTAL // NW
K = 128
G = 2
ROWS_PER_GROUP = K * G
N_GROUPS = R_PER_W // ROWS_PER_GROUP


def _emb_body(idx_hbm, table_hbm, out_hbm, idx_v, rows0, rows1,
              gsem0, gsem1, wsem0, wsem1):
    wid = lax.axis_index("s") * NC + lax.axis_index("c")
    base = wid * R_PER_W
    rows = (rows0, rows1)
    gsem = (gsem0, gsem1)
    wsem = (wsem0, wsem1)

    pltpu.sync_copy(idx_hbm.at[pl.ds(base, R_PER_W)], idx_v)

    def fire_gathers(g, b):
        row_base = g * ROWS_PER_GROUP
        for j in range(G):
            pltpu.async_copy(
                table_hbm.at[idx_v.at[pl.ds(row_base + j * K, K)]],
                rows[b].at[pl.ds(j * K, K), :],
                gsem[b],
            )

    def drain_gathers(b):
        pltpu.make_async_copy(
            out_hbm.at[pl.ds(0, ROWS_PER_GROUP), :], rows[b], gsem[b]
        ).wait()

    def fire_write(g, b):
        out_off = pl.multiple_of(base + g * ROWS_PER_GROUP, 8)
        pltpu.async_copy(
            rows[b], out_hbm.at[pl.ds(out_off, ROWS_PER_GROUP), :], wsem[b]
        )

    def drain_write(b):
        pltpu.make_async_copy(
            rows[b], out_hbm.at[pl.ds(0, ROWS_PER_GROUP), :], wsem[b]
        ).wait()

    fire_gathers(0, 0)
    fire_gathers(1, 1)

    def step(i, _):
        t = 2 * i
        drain_gathers(0)
        fire_write(t, 0)
        drain_gathers(1)
        fire_write(t + 1, 1)
        drain_write(0)
        fire_gathers(t + 2, 0)
        drain_write(1)
        fire_gathers(t + 3, 1)
        return 0

    lax.fori_loop(0, (N_GROUPS - 2) // 2, step, 0)

    drain_gathers(0)
    fire_write(N_GROUPS - 2, 0)
    drain_gathers(1)
    fire_write(N_GROUPS - 1, 1)
    drain_write(0)
    drain_write(1)


@jax.jit
def _emb(xf_flat, table128):
    mesh = plsc.VectorSubcoreMesh(core_axis_name="c", subcore_axis_name="s")
    run = pl.kernel(
        _emb_body,
        mesh=mesh,
        out_type=jax.ShapeDtypeStruct((R_TOTAL, DP), jnp.float32),
        scratch_types=[
            pltpu.VMEM((R_PER_W,), jnp.int32),
            pltpu.VMEM((ROWS_PER_GROUP, DP), jnp.float32),
            pltpu.VMEM((ROWS_PER_GROUP, DP), jnp.float32),
            pltpu.SemaphoreType.DMA,
            pltpu.SemaphoreType.DMA,
            pltpu.SemaphoreType.DMA,
            pltpu.SemaphoreType.DMA,
        ],
    )
    return run(xf_flat, table128)


def kernel(x, weight):
    xf = jnp.pad(x.astype(jnp.int32), ((0, 0), (0, SF - S)))
    w128 = jnp.pad(weight, ((0, 0), (0, DP - D)))
    o = _emb(xf.reshape(-1), w128)
    return o.reshape(B, SF, DP)[:, :S, :D]

# --- scband reference (transcript-rebuilt; emitter-appended) ---
"""Pipeline reference for scband-embedding-26053271617679 (READ-ONLY COPY).

The authoritative reference and input builder live on the scoring server;
editing this copy changes nothing except your own understanding.
"""

import jax, jax.numpy as jnp
import numpy as np

VOCAB_SIZE = 1000000
D_MODEL = 64

def setup_inputs(seed: int = 0) -> dict:
    key = jax.random.key(seed)
    k_idx, k_w = jax.random.split(key)
    x = jax.random.randint(k_idx, (16384, 50), 0, VOCAB_SIZE, dtype=jnp.int64)
    # trunc_normal(std=1.0, a=-3, b=3) approximated with truncated_normal
    weight = jax.random.truncated_normal(k_w, -3.0, 3.0, (VOCAB_SIZE, D_MODEL), dtype=jnp.float32)
    return {"x": x, "weight": weight}

def reference(x, weight):
    # Faithful to torch: self.weight[x] -> gather rows
    return weight[x]

if __name__ == "__main__":
    import jax
    _d = setup_inputs()
    print(jax.jit(kernel)(*tuple(_d.values())))

</pallas_src>

<mosaic_0001>
#map = affine_map<(d0, d1) -> (0)>
#map1 = affine_map<(d0, d1) -> (0, 0)>
module attributes {stable_mosaic.version = 14 : i64} {
  func.func @_emb_body(%arg0: i32, %arg1: i32, %arg2: memref<917504xi32, #tpu.memory_space<hbm>>, %arg3: memref<1000000x128xf32, #tpu.memory_space<hbm>>, %arg4: memref<917504x128xf32, #tpu.memory_space<hbm>>, %arg5: memref<28672xi32, #tpu.memory_space<vmem>>, %arg6: memref<256x128xf32, #tpu.memory_space<vmem>>, %arg7: memref<256x128xf32, #tpu.memory_space<vmem>>, %arg8: memref<!tpu.dma_semaphore, #tpu.memory_space<semaphore_mem>>, %arg9: memref<!tpu.dma_semaphore, #tpu.memory_space<semaphore_mem>>, %arg10: memref<!tpu.dma_semaphore, #tpu.memory_space<semaphore_mem>>, %arg11: memref<!tpu.dma_semaphore, #tpu.memory_space<semaphore_mem>>) attributes {dimension_semantics = [#tpu.dimension_semantics<core_parallel>, #tpu.dimension_semantics<subcore_parallel>], iteration_bounds = array<i64: 2, 16>, scalar_prefetch = 0 : i64, scratch_operands = 7 : i64, tpu.core_type = #tpu.core_type<sc_vector_subcore>, window_params = [{transform_indices = #map}, {transform_indices = #map1}, {transform_indices = #map1}]} {
    %mul3A = arith.constant 2 : i32
    %mul3A_0 = arith.muli %arg1, %mul3A : i32
    %add3A = arith.addi %mul3A_0, %arg0 : i32
    %mul3A_1 = arith.constant 28672 : i32
    %mul3A_2 = arith.muli %add3A, %mul3A_1 : i32
    "tpu.region"() ({
      %run_scoped3A = tpu.sem_alloc : memref<!tpu.dma_semaphore, #tpu.memory_space<semaphore_mem>>
      %dma_start3A_76 = tpu.memref_slice %arg2[%mul3A_2] : memref<917504xi32, #tpu.memory_space<hbm>> -> memref<28672xi32, #tpu.memory_space<hbm>>
      %dma_start3A_77 = tpu.memref_slice %arg2[%mul3A_2] : memref<917504xi32, #tpu.memory_space<hbm>> -> memref<28672xi32, #tpu.memory_space<hbm>>
      tpu.enqueue_dma source(%dma_start3A_77 : memref<28672xi32, #tpu.memory_space<hbm>>) target(%arg5 : memref<28672xi32, #tpu.memory_space<vmem>>) target_semaphore(%run_scoped3A : memref<!tpu.dma_semaphore, #tpu.memory_space<semaphore_mem>>)
      %dma_wait3A_78 = tpu.memref_slice %arg2[%mul3A_2] : memref<917504xi32, #tpu.memory_space<hbm>> -> memref<28672xi32, #tpu.memory_space<hbm>>
      %dma_wait3A_79 = tpu.memref_slice %arg2[%mul3A_2] : memref<917504xi32, #tpu.memory_space<hbm>> -> memref<28672xi32, #tpu.memory_space<hbm>>
      tpu.wait_dma2 semaphore(%run_scoped3A : memref<!tpu.dma_semaphore, #tpu.memory_space<semaphore_mem>>) src(%dma_wait3A_79 : memref<28672xi32, #tpu.memory_space<hbm>>) dst(%arg5 : memref<28672xi32, #tpu.memory_space<vmem>>)
      tpu.yield
    }) : () -> ()
    %dma_start3A = arith.constant 0 : i32
    %dma_start3A_3 = arith.constant 0 : i32
    %dma_start3A_4 = tpu.memref_slice %arg6[%dma_start3A, %dma_start3A_3] : memref<256x128xf32, #tpu.memory_space<vmem>> -> memref<128x128xf32, #tpu.memory_space<vmem>>
    %dma_start3A_5 = arith.constant 0 : i32
    %dma_start3A_6 = tpu.memref_slice %arg5[%dma_start3A_5] : memref<28672xi32, #tpu.memory_space<vmem>> -> memref<128xi32, #tpu.memory_space<vmem>>
    %dma_start3A_7 = arith.constant 0 : i32
    %dma_start3A_8 = arith.constant 0 : i32
    %dma_start3A_9 = tpu.memref_slice %arg3[%dma_start3A_7, %dma_start3A_8] : memref<1000000x128xf32, #tpu.memory_space<hbm>> -> memref<1000000x128xf32, #tpu.memory_space<hbm>>
    tpu.enqueue_indirect_dma source(%dma_start3A_9 : memref<1000000x128xf32, #tpu.memory_space<hbm>>) target(%dma_start3A_4 : memref<128x128xf32, #tpu.memory_space<vmem>>) offsets(%dma_start3A_6 : memref<128xi32, #tpu.memory_space<vmem>>) semaphore(%arg8 : memref<!tpu.dma_semaphore, #tpu.memory_space<semaphore_mem>>)
    %dma_start3A_10 = arith.constant 128 : i32
    %dma_start3A_11 = arith.constant 0 : i32
    %dma_start3A_12 = tpu.memref_slice %arg6[%dma_start3A_10, %dma_start3A_11] : memref<256x128xf32, #tpu.memory_space<vmem>> -> memref<128x128xf32, #tpu.memory_space<vmem>>
    %dma_start3A_13 = arith.constant 128 : i32
    %dma_start3A_14 = tpu.memref_slice %arg5[%dma_start3A_13] : memref<28672xi32, #tpu.memory_space<vmem>> -> memref<128xi32, #tpu.memory_space<vmem>>
    %dma_start3A_15 = arith.constant 0 : i32
    %dma_start3A_16 = arith.constant 0 : i32
    %dma_start3A_17 = tpu.memref_slice %arg3[%dma_start3A_15, %dma_start3A_16] : memref<1000000x128xf32, #tpu.memory_space<hbm>> -> memref<1000000x128xf32, #tpu.memory_space<hbm>>
    tpu.enqueue_indirect_dma source(%dma_start3A_17 : memref<1000000x128xf32, #tpu.memory_space<hbm>>) target(%dma_start3A_12 : memref<128x128xf32, #tpu.memory_space<vmem>>) offsets(%dma_start3A_14 : memref<128xi32, #tpu.memory_space<vmem>>) semaphore(%arg8 : memref<!tpu.dma_semaphore, #tpu.memory_space<semaphore_mem>>)
    %dma_start3A_18 = arith.constant 0 : i32
    %dma_start3A_19 = arith.constant 0 : i32
    %dma_start3A_20 = tpu.memref_slice %arg7[%dma_start3A_18, %dma_start3A_19] : memref<256x128xf32, #tpu.memory_space<vmem>> -> memref<128x128xf32, #tpu.memory_space<vmem>>
    %dma_start3A_21 = arith.constant 256 : i32
    %dma_start3A_22 = tpu.memref_slice %arg5[%dma_start3A_21] : memref<28672xi32, #tpu.memory_space<vmem>> -> memref<128xi32, #tpu.memory_space<vmem>>
    %dma_start3A_23 = arith.constant 0 : i32
    %dma_start3A_24 = arith.constant 0 : i32
    %dma_start3A_25 = tpu.memref_slice %arg3[%dma_start3A_23, %dma_start3A_24] : memref<1000000x128xf32, #tpu.memory_space<hbm>> -> memref<1000000x128xf32, #tpu.memory_space<hbm>>
    tpu.enqueue_indirect_dma source(%dma_start3A_25 : memref<1000000x128xf32, #tpu.memory_space<hbm>>) target(%dma_start3A_20 : memref<128x128xf32, #tpu.memory_space<vmem>>) offsets(%dma_start3A_22 : memref<128xi32, #tpu.memory_space<vmem>>) semaphore(%arg9 : memref<!tpu.dma_semaphore, #tpu.memory_space<semaphore_mem>>)
    %dma_start3A_26 = arith.constant 128 : i32
    %dma_start3A_27 = arith.constant 0 : i32
    %dma_start3A_28 = tpu.memref_slice %arg7[%dma_start3A_26, %dma_start3A_27] : memref<256x128xf32, #tpu.memory_space<vmem>> -> memref<128x128xf32, #tpu.memory_space<vmem>>
    %dma_start3A_29 = arith.constant 384 : i32
    %dma_start3A_30 = tpu.memref_slice %arg5[%dma_start3A_29] : memref<28672xi32, #tpu.memory_space<vmem>> -> memref<128xi32, #tpu.memory_space<vmem>>
    %dma_start3A_31 = arith.constant 0 : i32
    %dma_start3A_32 = arith.constant 0 : i32
    %dma_start3A_33 = tpu.memref_slice %arg3[%dma_start3A_31, %dma_start3A_32] : memref<1000000x128xf32, #tpu.memory_space<hbm>> -> memref<1000000x128xf32, #tpu.memory_space<hbm>>
    tpu.enqueue_indirect_dma source(%dma_start3A_33 : memref<1000000x128xf32, #tpu.memory_space<hbm>>) target(%dma_start3A_28 : memref<128x128xf32, #tpu.memory_space<vmem>>) offsets(%dma_start3A_30 : memref<128xi32, #tpu.memory_space<vmem>>) semaphore(%arg9 : memref<!tpu.dma_semaphore, #tpu.memory_space<semaphore_mem>>)
    %scan3A = arith.constant 0 : i32
    %scan3A_34 = arith.constant 0 : i32
    %scan3A_35 = arith.constant 55 : i32
    %scan3A_36 = arith.addi %scan3A_34, %scan3A_35 : i32
    %scan3A_37 = arith.constant 1 : i32
    %scan3A_38 = scf.for %scan3A_76 = %scan3A_34 to %scan3A_36 step %scan3A_37 iter_args(%scan3A_77 = %scan3A) -> (i32)  : i32 {
      %mul3A_78 = arith.constant 2 : i32
      %mul3A_79 = arith.muli %mul3A_78, %scan3A_76 : i32
      %dma_wait3A_80 = arith.constant 0 : i32
      %dma_wait3A_81 = arith.constant 0 : i32
      %dma_wait3A_82 = tpu.memref_slice %arg4[%dma_wait3A_80, %dma_wait3A_81] : memref<917504x128xf32, #tpu.memory_space<hbm>> -> memref<256x128xf32, #tpu.memory_space<hbm>>
      %dma_wait3A_83 = arith.constant 0 : i32
      %dma_wait3A_84 = arith.constant 0 : i32
      %dma_wait3A_85 = tpu.memref_slice %arg4[%dma_wait3A_83, %dma_wait3A_84] : memref<917504x128xf32, #tpu.memory_space<hbm>> -> memref<256x128xf32, #tpu.memory_space<hbm>>
      tpu.wait_dma2 semaphore(%arg8 : memref<!tpu.dma_semaphore, #tpu.memory_space<semaphore_mem>>) src(%dma_wait3A_85 : memref<256x128xf32, #tpu.memory_space<hbm>>) dst(%arg6 : memref<256x128xf32, #tpu.memory_space<vmem>>)
      %mul3A_86 = arith.constant 256 : i32
      %mul3A_87 = arith.muli %mul3A_79, %mul3A_86 : i32
      %add3A_88 = arith.addi %mul3A_2, %mul3A_87 : i32
      %multiple_of3A_89 = tpu.assume_multiple %add3A_88, 8 : i32
      %dma_start3A_90 = arith.constant 0 : i32
      %dma_start3A_91 = tpu.memref_slice %arg4[%multiple_of3A_89, %dma_start3A_90] : memref<917504x128xf32, #tpu.memory_space<hbm>> -> memref<256x128xf32, #tpu.memory_space<hbm>>
      %dma_start3A_92 = arith.constant 0 : i32
      %dma_start3A_93 = tpu.memref_slice %arg4[%multiple_of3A_89, %dma_start3A_92] : memref<917504x128xf32, #tpu.memory_space<hbm>> -> memref<256x128xf32, #tpu.memory_space<hbm>>
      tpu.enqueue_dma source(%arg6 : memref<256x128xf32, #tpu.memory_space<vmem>>) target(%dma_start3A_93 : memref<256x128xf32, #tpu.memory_space<hbm>>) target_semaphore(%arg10 : memref<!tpu.dma_semaphore, #tpu.memory_space<semaphore_mem>>)
      %dma_wait3A_94 = arith.constant 0 : i32
      %dma_wait3A_95 = arith.constant 0 : i32
      %dma_wait3A_96 = tpu.memref_slice %arg4[%dma_wait3A_94, %dma_wait3A_95] : memref<917504x128xf32, #tpu.memory_space<hbm>> -> memref<256x128xf32, #tpu.memory_space<hbm>>
      %dma_wait3A_97 = arith.constant 0 : i32
      %dma_wait3A_98 = arith.constant 0 : i32
      %dma_wait3A_99 = tpu.memref_slice %arg4[%dma_wait3A_97, %dma_wait3A_98] : memref<917504x128xf32, #tpu.memory_space<hbm>> -> memref<256x128xf32, #tpu.memory_space<hbm>>
      tpu.wait_dma2 semaphore(%arg9 : memref<!tpu.dma_semaphore, #tpu.memory_space<semaphore_mem>>) src(%dma_wait3A_99 : memref<256x128xf32, #tpu.memory_space<hbm>>) dst(%arg7 : memref<256x128xf32, #tpu.memory_space<vmem>>)
      %add3A_100 = arith.constant 1 : i32
      %add3A_101 = arith.addi %mul3A_79, %add3A_100 : i32
      %mul3A_102 = arith.constant 256 : i32
      %mul3A_103 = arith.muli %add3A_101, %mul3A_102 : i32
      %add3A_104 = arith.addi %mul3A_2, %mul3A_103 : i32
      %multiple_of3A_105 = tpu.assume_multiple %add3A_104, 8 : i32
      %dma_start3A_106 = arith.constant 0 : i32
      %dma_start3A_107 = tpu.memref_slice %arg4[%multiple_of3A_105, %dma_start3A_106] : memref<917504x128xf32, #tpu.memory_space<hbm>> -> memref<256x128xf32, #tpu.memory_space<hbm>>
      %dma_start3A_108 = arith.constant 0 : i32
      %dma_start3A_109 = tpu.memref_slice %arg4[%multiple_of3A_105, %dma_start3A_108] : memref<917504x128xf32, #tpu.memory_space<hbm>> -> memref<256x128xf32, #tpu.memory_space<hbm>>
      tpu.enqueue_dma source(%arg7 : memref<256x128xf32, #tpu.memory_space<vmem>>) target(%dma_start3A_109 : memref<256x128xf32, #tpu.memory_space<hbm>>) target_semaphore(%arg11 : memref<!tpu.dma_semaphore, #tpu.memory_space<semaphore_mem>>)
      %dma_wait3A_110 = arith.constant 0 : i32
      %dma_wait3A_111 = arith.constant 0 : i32
      %dma_wait3A_112 = tpu.memref_slice %arg4[%dma_wait3A_110, %dma_wait3A_111] : memref<917504x128xf32, #tpu.memory_space<hbm>> -> memref<256x128xf32, #tpu.memory_space<hbm>>
      %dma_wait3A_113 = arith.constant 0 : i32
      %dma_wait3A_114 = arith.constant 0 : i32
      %dma_wait3A_115 = tpu.memref_slice %arg4[%dma_wait3A_113, %dma_wait3A_114] : memref<917504x128xf32, #tpu.memory_space<hbm>> -> memref<256x128xf32, #tpu.memory_space<hbm>>
      tpu.wait_dma2 semaphore(%arg10 : memref<!tpu.dma_semaphore, #tpu.memory_space<semaphore_mem>>) src(%arg6 : memref<256x128xf32, #tpu.memory_space<vmem>>) dst(%dma_wait3A_115 : memref<256x128xf32, #tpu.memory_space<hbm>>)
      %add3A_116 = arith.constant 2 : i32
      %add3A_117 = arith.addi %mul3A_79, %add3A_116 : i32
      %mul3A_118 = arith.constant 256 : i32
      %mul3A_119 = arith.muli %add3A_117, %mul3A_118 : i32
      %add3A_120 = arith.constant 0 : i32
      %add3A_121 = arith.addi %mul3A_119, %add3A_120 : i32
      %dma_start3A_122 = arith.constant 0 : i32
      %dma_start3A_123 = arith.constant 0 : i32
      %dma_start3A_124 = tpu.memref_slice %arg6[%dma_start3A_122, %dma_start3A_123] : memref<256x128xf32, #tpu.memory_space<vmem>> -> memref<128x128xf32, #tpu.memory_space<vmem>>
      %dma_start3A_125 = tpu.memref_slice %arg5[%add3A_121] : memref<28672xi32, #tpu.memory_space<vmem>> -> memref<128xi32, #tpu.memory_space<vmem>>
      %dma_start3A_126 = arith.constant 0 : i32
      %dma_start3A_127 = arith.constant 0 : i32
      %dma_start3A_128 = tpu.memref_slice %arg3[%dma_start3A_126, %dma_start3A_127] : memref<1000000x128xf32, #tpu.memory_space<hbm>> -> memref<1000000x128xf32, #tpu.memory_space<hbm>>
      tpu.enqueue_indirect_dma source(%dma_start3A_128 : memref<1000000x128xf32, #tpu.memory_space<hbm>>) target(%dma_start3A_124 : memref<128x128xf32, #tpu.memory_space<vmem>>) offsets(%dma_start3A_125 : memref<128xi32, #tpu.memory_space<vmem>>) semaphore(%arg8 : memref<!tpu.dma_semaphore, #tpu.memory_space<semaphore_mem>>)
      %add3A_129 = arith.constant 128 : i32
      %add3A_130 = arith.addi %mul3A_119, %add3A_129 : i32
      %dma_start3A_131 = arith.constant 128 : i32
      %dma_start3A_132 = arith.constant 0 : i32
      %dma_start3A_133 = tpu.memref_slice %arg6[%dma_start3A_131, %dma_start3A_132] : memref<256x128xf32, #tpu.memory_space<vmem>> -> memref<128x128xf32, #tpu.memory_space<vmem>>
      %dma_start3A_134 = tpu.memref_slice %arg5[%add3A_130] : memref<28672xi32, #tpu.memory_space<vmem>> -> memref<128xi32, #tpu.memory_space<vmem>>
      %dma_start3A_135 = arith.constant 0 : i32
      %dma_start3A_136 = arith.constant 0 : i32
      %dma_start3A_137 = tpu.memref_slice %arg3[%dma_start3A_135, %dma_start3A_136] : memref<1000000x128xf32, #tpu.memory_space<hbm>> -> memref<1000000x128xf32, #tpu.memory_space<hbm>>
      tpu.enqueue_indirect_dma source(%dma_start3A_137 : memref<1000000x128xf32, #tpu.memory_space<hbm>>) target(%dma_start3A_133 : memref<128x128xf32, #tpu.memory_space<vmem>>) offsets(%dma_start3A_134 : memref<128xi32, #tpu.memory_space<vmem>>) semaphore(%arg8 : memref<!tpu.dma_semaphore, #tpu.memory_space<semaphore_mem>>)
      %dma_wait3A_138 = arith.constant 0 : i32
      %dma_wait3A_139 = arith.constant 0 : i32
      %dma_wait3A_140 = tpu.memref_slice %arg4[%dma_wait3A_138, %dma_wait3A_139] : memref<917504x128xf32, #tpu.memory_space<hbm>> -> memref<256x128xf32, #tpu.memory_space<hbm>>
      %dma_wait3A_141 = arith.constant 0 : i32
      %dma_wait3A_142 = arith.constant 0 : i32
      %dma_wait3A_143 = tpu.memref_slice %arg4[%dma_wait3A_141, %dma_wait3A_142] : memref<917504x128xf32, #tpu.memory_space<hbm>> -> memref<256x128xf32, #tpu.memory_space<hbm>>
      tpu.wait_dma2 semaphore(%arg11 : memref<!tpu.dma_semaphore, #tpu.memory_space<semaphore_mem>>) src(%arg7 : memref<256x128xf32, #tpu.memory_space<vmem>>) dst(%dma_wait3A_143 : memref<256x128xf32, #tpu.memory_space<hbm>>)
      %add3A_144 = arith.constant 3 : i32
      %add3A_145 = arith.addi %mul3A_79, %add3A_144 : i32
      %mul3A_146 = arith.constant 256 : i32
      %mul3A_147 = arith.muli %add3A_145, %mul3A_146 : i32
      %add3A_148 = arith.constant 0 : i32
      %add3A_149 = arith.addi %mul3A_147, %add3A_148 : i32
      %dma_start3A_150 = arith.constant 0 : i32
      %dma_start3A_151 = arith.constant 0 : i32
      %dma_start3A_152 = tpu.memref_slice %arg7[%dma_start3A_150, %dma_start3A_151] : memref<256x128xf32, #tpu.memory_space<vmem>> -> memref<128x128xf32, #tpu.memory_space<vmem>>
      %dma_start3A_153 = tpu.memref_slice %arg5[%add3A_149] : memref<28672xi32, #tpu.memory_space<vmem>> -> memref<128xi32, #tpu.memory_space<vmem>>
      %dma_start3A_154 = arith.constant 0 : i32
      %dma_start3A_155 = arith.constant 0 : i32
      %dma_start3A_156 = tpu.memref_slice %arg3[%dma_start3A_154, %dma_start3A_155] : memref<1000000x128xf32, #tpu.memory_space<hbm>> -> memref<1000000x128xf32, #tpu.memory_space<hbm>>
      tpu.enqueue_indirect_dma source(%dma_start3A_156 : memref<1000000x128xf32, #tpu.memory_space<hbm>>) target(%dma_start3A_152 : memref<128x128xf32, #tpu.memory_space<vmem>>) offsets(%dma_start3A_153 : memref<128xi32, #tpu.memory_space<vmem>>) semaphore(%arg9 : memref<!tpu.dma_semaphore, #tpu.memory_space<semaphore_mem>>)
      %add3A_157 = arith.constant 128 : i32
      %add3A_158 = arith.addi %mul3A_147, %add3A_157 : i32
      %dma_start3A_159 = arith.constant 128 : i32
      %dma_start3A_160 = arith.constant 0 : i32
      %dma_start3A_161 = tpu.memref_slice %arg7[%dma_start3A_159, %dma_start3A_160] : memref<256x128xf32, #tpu.memory_space<vmem>> -> memref<128x128xf32, #tpu.memory_space<vmem>>
      %dma_start3A_162 = tpu.memref_slice %arg5[%add3A_158] : memref<28672xi32, #tpu.memory_space<vmem>> -> memref<128xi32, #tpu.memory_space<vmem>>
      %dma_start3A_163 = arith.constant 0 : i32
      %dma_start3A_164 = arith.constant 0 : i32
      %dma_start3A_165 = tpu.memref_slice %arg3[%dma_start3A_163, %dma_start3A_164] : memref<1000000x128xf32, #tpu.memory_space<hbm>> -> memref<1000000x128xf32, #tpu.memory_space<hbm>>
      tpu.enqueue_indirect_dma source(%dma_start3A_165 : memref<1000000x128xf32, #tpu.memory_space<hbm>>) target(%dma_start3A_161 : memref<128x128xf32, #tpu.memory_space<vmem>>) offsets(%dma_start3A_162 : memref<128xi32, #tpu.memory_space<vmem>>) semaphore(%arg9 : memref<!tpu.dma_semaphore, #tpu.memory_space<semaphore_mem>>)
      %scan3A_166 = arith.constant 0 : i32
      scf.yield %scan3A_166 : i32
    }
    %scan3A_39 = arith.constant 55 : i32
    %dma_wait3A = arith.constant 0 : i32
    %dma_wait3A_40 = arith.constant 0 : i32
    %dma_wait3A_41 = tpu.memref_slice %arg4[%dma_wait3A, %dma_wait3A_40] : memref<917504x128xf32, #tpu.memory_space<hbm>> -> memref<256x128xf32, #tpu.memory_space<hbm>>
    %dma_wait3A_42 = arith.constant 0 : i32
    %dma_wait3A_43 = arith.constant 0 : i32
    %dma_wait3A_44 = tpu.memref_slice %arg4[%dma_wait3A_42, %dma_wait3A_43] : memref<917504x128xf32, #tpu.memory_space<hbm>> -> memref<256x128xf32, #tpu.memory_space<hbm>>
    tpu.wait_dma2 semaphore(%arg8 : memref<!tpu.dma_semaphore, #tpu.memory_space<semaphore_mem>>) src(%dma_wait3A_44 : memref<256x128xf32, #tpu.memory_space<hbm>>) dst(%arg6 : memref<256x128xf32, #tpu.memory_space<vmem>>)
    %add3A_45 = arith.constant 28160 : i32
    %add3A_46 = arith.addi %mul3A_2, %add3A_45 : i32
    %multiple_of3A = tpu.assume_multiple %add3A_46, 8 : i32
    %dma_start3A_47 = arith.constant 0 : i32
    %dma_start3A_48 = tpu.memref_slice %arg4[%multiple_of3A, %dma_start3A_47] : memref<917504x128xf32, #tpu.memory_space<hbm>> -> memref<256x128xf32, #tpu.memory_space<hbm>>
    %dma_start3A_49 = arith.constant 0 : i32
    %dma_start3A_50 = tpu.memref_slice %arg4[%multiple_of3A, %dma_start3A_49] : memref<917504x128xf32, #tpu.memory_space<hbm>> -> memref<256x128xf32, #tpu.memory_space<hbm>>
    tpu.enqueue_dma source(%arg6 : memref<256x128xf32, #tpu.memory_space<vmem>>) target(%dma_start3A_50 : memref<256x128xf32, #tpu.memory_space<hbm>>) target_semaphore(%arg10 : memref<!tpu.dma_semaphore, #tpu.memory_space<semaphore_mem>>)
    %dma_wait3A_51 = arith.constant 0 : i32
    %dma_wait3A_52 = arith.constant 0 : i32
    %dma_wait3A_53 = tpu.memref_slice %arg4[%dma_wait3A_51, %dma_wait3A_52] : memref<917504x128xf32, #tpu.memory_space<hbm>> -> memref<256x128xf32, #tpu.memory_space<hbm>>
    %dma_wait3A_54 = arith.constant 0 : i32
    %dma_wait3A_55 = arith.constant 0 : i32
    %dma_wait3A_56 = tpu.memref_slice %arg4[%dma_wait3A_54, %dma_wait3A_55] : memref<917504x128xf32, #tpu.memory_space<hbm>> -> memref<256x128xf32, #tpu.memory_space<hbm>>
    tpu.wait_dma2 semaphore(%arg9 : memref<!tpu.dma_semaphore, #tpu.memory_space<semaphore_mem>>) src(%dma_wait3A_56 : memref<256x128xf32, #tpu.memory_space<hbm>>) dst(%arg7 : memref<256x128xf32, #tpu.memory_space<vmem>>)
    %add3A_57 = arith.constant 28416 : i32
    %add3A_58 = arith.addi %mul3A_2, %add3A_57 : i32
    %multiple_of3A_59 = tpu.assume_multiple %add3A_58, 8 : i32
    %dma_start3A_60 = arith.constant 0 : i32
    %dma_start3A_61 = tpu.memref_slice %arg4[%multiple_of3A_59, %dma_start3A_60] : memref<917504x128xf32, #tpu.memory_space<hbm>> -> memref<256x128xf32, #tpu.memory_space<hbm>>
    %dma_start3A_62 = arith.constant 0 : i32
    %dma_start3A_63 = tpu.memref_slice %arg4[%multiple_of3A_59, %dma_start3A_62] : memref<917504x128xf32, #tpu.memory_space<hbm>> -> memref<256x128xf32, #tpu.memory_space<hbm>>
    tpu.enqueue_dma source(%arg7 : memref<256x128xf32, #tpu.memory_space<vmem>>) target(%dma_start3A_63 : memref<256x128xf32, #tpu.memory_space<hbm>>) target_semaphore(%arg11 : memref<!tpu.dma_semaphore, #tpu.memory_space<semaphore_mem>>)
    %dma_wait3A_64 = arith.constant 0 : i32
    %dma_wait3A_65 = arith.constant 0 : i32
    %dma_wait3A_66 = tpu.memref_slice %arg4[%dma_wait3A_64, %dma_wait3A_65] : memref<917504x128xf32, #tpu.memory_space<hbm>> -> memref<256x128xf32, #tpu.memory_space<hbm>>
    %dma_wait3A_67 = arith.constant 0 : i32
    %dma_wait3A_68 = arith.constant 0 : i32
    %dma_wait3A_69 = tpu.memref_slice %arg4[%dma_wait3A_67, %dma_wait3A_68] : memref<917504x128xf32, #tpu.memory_space<hbm>> -> memref<256x128xf32, #tpu.memory_space<hbm>>
    tpu.wait_dma2 semaphore(%arg10 : memref<!tpu.dma_semaphore, #tpu.memory_space<semaphore_mem>>) src(%arg6 : memref<256x128xf32, #tpu.memory_space<vmem>>) dst(%dma_wait3A_69 : memref<256x128xf32, #tpu.memory_space<hbm>>)
    %dma_wait3A_70 = arith.constant 0 : i32
    %dma_wait3A_71 = arith.constant 0 : i32
    %dma_wait3A_72 = tpu.memref_slice %arg4[%dma_wait3A_70, %dma_wait3A_71] : memref<917504x128xf32, #tpu.memory_space<hbm>> -> memref<256x128xf32, #tpu.memory_space<hbm>>
    %dma_wait3A_73 = arith.constant 0 : i32
    %dma_wait3A_74 = arith.constant 0 : i32
    %dma_wait3A_75 = tpu.memref_slice %arg4[%dma_wait3A_73, %dma_wait3A_74] : memref<917504x128xf32, #tpu.memory_space<hbm>> -> memref<256x128xf32, #tpu.memory_space<hbm>>
    tpu.wait_dma2 semaphore(%arg11 : memref<!tpu.dma_semaphore, #tpu.memory_space<semaphore_mem>>) src(%arg7 : memref<256x128xf32, #tpu.memory_space<vmem>>) dst(%dma_wait3A_75 : memref<256x128xf32, #tpu.memory_space<hbm>>)
    return
  }
}

</mosaic_0001>

<sc_bundles>
// kernel: _emb.3.cloned.1.call-start
scs
__scs_entry_jumppad:
0x0: {  	(pc) =	sbr.rel $0x88, $3  }
0x1: {  	(tag) =	ssettag $0x0;
	lr =	simm.s32 $0x1  }
0x2: {  	[smem:$0x3F9F] =	sst lr;
	_ =	strace $0xD0000000  }
0x3: {  	_ = 	snop  }
0x4: {  	_ = 	snop  }
0x5: {  	_ = 	snop  }
0x6: {  	_ = 	snop  }
0x7: {  	_ = 	snop  }
__scs_overlays_trampoline_lowered:
0x8: {  	[smem:$0x3FAE] =	sst s0  }
0x9: {  	[smem:$0x3FAF] =	sst s1  }
0xa: {  	[smem:$0x3FB0] =	sst s2  }
0xb: {  	[smem:$0x3FB1] =	sst s3  }
0xc: {  	[smem:$0x3FB2] =	sst s4  }
0xd: {  	[smem:$0x3FB3] =	sst s5  }
0xe: {  	[smem:$0x3FB4] =	sst s6  }
0xf: {  	[smem:$0x3FB5] =	sst s7  }
0x10: {  	[smem:$0x3FB6] =	sst s8  }
0x11: {  	[smem:$0x3FB7] =	sst s9;
	s0 =	simm.s32 @!p0 $0x0  }
0x12: {  	s1 =	sld [smem:$0x3F9D];
	s0 =	simm.s32 @p0 $0x1  }
0x13: {  	[smem:$0x3FB8] =	sst s0;
	s0 =	simm.s32 @!p1 $0x0  }
0x14: {  	s2 =	sld [smem:$0x3F9C];
	s0 =	simm.s32 @p1 $0x1  }
0x15: {  	[smem:$0x3FB9] =	sst s0;
	s0 =	simm.s32 @!p2 $0x0  }
0x16: {  	s3 =	sld [smem:$0x3FDB];
	s0 =	simm.s32 @p2 $0x1  }
0x17: {  	s4 =	simm.s32 $0x1BF5;
	[smem:$0x3FBB] =	sst s0  }
0x18: {  	s0 =	sld [smem:$0x3F9E];
	_ =	swait.ge [sflag:s4], $0x0  }
0x19: {  	s7 =	sld [smem:$0x3F9F]  }
0x1a: {  	s8 =	sadd.s32 $0xFFFFE003, lr  }
0x1b: {  	s9 =	sadd.s32 $0xFFFFFEF7, lr;
	s5 =	simm.s32 $0xFFFFFFFF;
	p2 =	slt.u32 s8, $0xFFFFF086  }
0x1c: {  	p1 =	slt.u32 s9, $0xF7A;
	s5 =	simm.s32 @!p2 $0x0  }
0x1d: {  	s5 =	simm.s32 @p1 $0x1;
	p0 =	seq.s32 s7, s2  }
0x1e: {  	s7 =	smul.u32 @!p0 $0xF7A, s2;
	p2 =	seq.s32 @!p0 s5, $0x0  }
0x1f: {  	s9 =	smul.u32 $0xF7A, s1;
	s8 =	simm.s32 @!p0 $0x1BF5;
	p2 =	por !p2, p0  }
0x20: {  	[sflag:s8] =	ssyncset.s32 @!p0 $0xFFFFF086;
	s6 =	sadd.s32 @!p0 s3, s7;
	s7 =	simm.s32 @!p0 $0x108  }
0x21: {  	s3 =	sadd.s32 s3, s9;
	s6 =	sadd.s32 @!p0 $0x88, s6;
	s7 =	simm.s32 @p2 $0x1082  }
0x22: {  	[simem:s7], [sflag:s8] =	dma.local @!p0 [hbm:s6], $0xF7A  }
0x23: {  	s9 =	sor.u32 $0xD0000000, s2;
	s6 =	simm.s32 $0x108;
	_ =	swait.ge @!p0 [sflag:s8], $0x0  }
0x24: {  	s3 =	sadd.s32 $0x88, s3;
	s6 =	simm.s32 @!p1 $0x1082;
	[sflag:s4] =	ssyncset.s32 $0xFFFFF086  }
0x25: {  	[simem:s6], [sflag:s4] =	dma.local [hbm:s3], $0xF7A  }
0x26: {  	[smem:$0x3F9F] =	sst s1;
	(tag) =	ssettag s2;
	_ =	strace s9  }
0x27: {  	s1 =	sld [smem:$0x3FAF]  }
0x28: {  	s2 =	sld [smem:$0x3FB0]  }
0x29: {  	s4 =	sld [smem:$0x3FB2]  }
0x2a: {  	p0 =	seq.s32 s5, $0x0;
	s5 =	sld [smem:$0x3FB3]  }
0x2b: {  	s6 =	sld [smem:$0x3FB4]  }
0x2c: {  	s7 =	sld [smem:$0x3FB5]  }
0x2d: {  	s3 =	simm.s32 $0x108;
	s8 =	sld [smem:$0x3FB6]  }
0x2e: {  	s3 =	simm.s32 @!p0 $0x1082;
	s9 =	sld [smem:$0x3FB7]  }
0x2f: {  	lr =	sadd.s32 s0, s3;
	s0 =	sld [smem:$0x3FAE]  }
0x30: {  	s3 =	sld [smem:$0x3FB1]  }
0x31: {  	[smem:$0x3FBA] =	sst s10  }
0x32: {  	s10 =	sld [smem:$0x3FB8];
	_ =	sdelay $0x3  }
0x33: {  	p0 =	seq.s32 s10, $0x1;
	s10 =	sld [smem:$0x3FBA];
	_ =	sdelay $0x3  }
0x34: {  	[smem:$0x3FBA] =	sst s10  }
0x35: {  	s10 =	sld [smem:$0x3FB9];
	_ =	sdelay $0x3  }
0x36: {  	p1 =	seq.s32 s10, $0x1;
	s10 =	sld [smem:$0x3FBA];
	_ =	sdelay $0x3  }
0x37: {  	[smem:$0x3FBA] =	sst s10  }
0x38: {  	s10 =	sld [smem:$0x3FBB]  }
0x39: {  	_ = 	snop;
	(pc) =	sbr.ind lr, $3  }
0x3a: {  	_ = 	snop  }
0x3b: {  	_ = 	snop  }
0x3c: {  	p2 =	seq.s32 s10, $0x1;
	s10 =	sld [smem:$0x3FBA]  }
0x3d: {  	_ =	shalt  }
0x3e: {  	_ =	shalt  }
0x3f: {  	_ =	shalt  }
0x40: {  	_ =	shalt  }
0x41: {  	_ =	shalt  }
0x42: {  	_ =	shalt  }
0x43: {  	_ =	shalt  }
0x44: {  	_ =	shalt  }
0x45: {  	_ =	shalt  }
0x46: {  	_ =	shalt  }
0x47: {  	_ =	shalt  }
0x48: {  	_ =	shalt  }
0x49: {  	_ =	shalt  }
0x4a: {  	_ =	shalt  }
0x4b: {  	_ =	shalt  }
0x4c: {  	_ =	shalt  }
0x4d: {  	_ =	shalt  }
0x4e: {  	_ =	shalt  }
0x4f: {  	_ =	shalt  }
0x50: {  	_ =	shalt  }
0x51: {  	_ =	shalt  }
0x52: {  	_ =	shalt  }
0x53: {  	_ =	shalt  }
0x54: {  	_ =	shalt  }
0x55: {  	_ =	shalt  }
0x56: {  	_ =	shalt  }
0x57: {  	_ =	shalt  }
0x58: {  	_ =	shalt  }
0x59: {  	_ =	shalt  }
0x5a: {  	_ =	shalt  }
0x5b: {  	_ =	shalt  }
0x5c: {  	_ =	shalt  }
0x5d: {  	_ =	shalt  }
0x5e: {  	_ =	shalt  }
0x5f: {  	_ =	shalt  }
0x60: {  	_ =	shalt  }
0x61: {  	_ =	shalt  }
0x62: {  	_ =	shalt  }
0x63: {  	_ =	shalt  }
0x64: {  	_ =	shalt  }
0x65: {  	_ =	shalt  }
0x66: {  	_ =	shalt  }
0x67: {  	_ =	shalt  }
0x68: {  	_ =	shalt  }
0x69: {  	_ =	shalt  }
0x6a: {  	_ =	shalt  }
0x6b: {  	_ =	shalt  }
0x6c: {  	_ =	shalt  }
0x6d: {  	_ =	shalt  }
0x6e: {  	_ =	shalt  }
0x6f: {  	_ =	shalt  }
0x70: {  	_ =	shalt  }
0x71: {  	_ =	shalt  }
0x72: {  	_ =	shalt  }
0x73: {  	_ =	shalt  }
0x74: {  	_ =	shalt  }
0x75: {  	_ =	shalt  }
0x76: {  	_ =	shalt  }
0x77: {  	_ =	shalt  }
0x78: {  	_ =	shalt  }
0x79: {  	_ =	shalt  }
0x7a: {  	_ =	shalt  }
0x7b: {  	_ =	shalt  }
0x7c: {  	_ =	shalt  }
0x7d: {  	_ =	shalt  }
0x7e: {  	_ =	shalt  }
0x7f: {  	_ =	shalt  }
0x80: {  	_ =	shalt  }
0x81: {  	_ =	shalt  }
0x82: {  	_ =	shalt  }
0x83: {  	_ =	shalt  }
0x84: {  	_ =	shalt  }
0x85: {  	_ =	shalt  }
0x86: {  	_ =	shalt  }
0x87: {  	_ =	shalt  }
.Lfunc_end0:
.L_simem_size_0:
called_computation_lowered:
.L_overlay_start_0:
0x88: {  	s2 =	sld [smem:$0x3FD9]  }
0x89: {  	s3 =	sld [smem:$0x3FFE];
	_ =	sdelay $0x1  }
0x8a: {  	s1 =	srdreg.scid  }
0x8b: {  	s0 =	sand.u32 $0x1, s1  }
0x8c: {  	s18 =	sshll.u32 s0, $0xA;
	s2 =	sadd.s32 s3, s2  }
0x8d: {  	s2 =	sadd.s32 s2, s18  }
0x8e: {  	[smem:$0x3FC6] =	sst s2  }
0x8f: {  	_ = 	snop  }
0x90: {  	s2 =	sld [smem:$0x3FC9]  }
0x91: {  	s19 =	sld [smem:$0x3FC8]  }
0x92: {  	s4 =	sld [smem:$0x3FD0];
	(tm) =	ssettm $0x1  }
0x93: {  	s5 =	sld [smem:$0x3FFB];
	_ =	sdelay $0x3  }
0x94: {  	_ =	strace s5  }
0x95: {  	s5 =	sld [smem:$0x3FFC];
	_ =	sdelay $0x3  }
0x96: {  	_ =	strace s5  }
0x97: {  	s5 =	sld [smem:$0x3FFD];
	_ =	sdelay $0x3  }
0x98: {  	_ =	strace s5  }
0x99: {  	_ =	strace $0x8FFFFFFF  }
0x9a: {  	s20 =	sld [smem:$0x3FDB];
	_ =	sdelay $0x1  }
0x9b: {  	s6 =	simm.s32 $_scs_section_size  }
0x9c: {  	s7 =	simm.s32 $_size__tile_overlayer_lowered;
	s8 =	simm.s32 $_tile_overlayer_lowered  }
0x9d: {  	s23 =	simm.s32 $0x1BFF;
	s22 =	sshll.u32 s8, $0x1;
	s5 =	sadd.s32 s6, s20  }
0x9e: {  	s9 =	simm.s32 $0x0;
	s21 =	sshll.u32 s7, $0x1;
	s7 =	sadd.s32 s22, s5  }
0x9f: {  	[timem:s9], [sflag:s23] =	dma.local [hbm:s7], s21  }
0xa0: {  	_ =	swait.ge [sflag:s23], s21  }
0xa1: {  	s6 =	ssub.s32 $0x0, s21;
	[sflag:s23] =	ssyncset.done $0x0  }
0xa2: {  	[sflag:s23] =	ssyncadd.s32 s6;
	_ =	sdelay $0x1  }
0xa3: {  	s24 =	simm.s32 $0x1B8B  }
0xa4: {  	_ =	swait.ge [sflag:s24], $0x1  }
0xa5: {  	[sflag:s24] =	ssyncset.done $0x0  }
0xa6: {  	s25 =	simm.s32 $0x1B8E;
	[sflag:s24] =	ssyncadd.s32 $0xFFFFFFFF  }
0xa7: {  	s26 =	simm.s32 $execute0_lowered;
	[smem:$0x3FD2] =	sst s25  }
0xa8: {  	s6 =	sshll.u32 s26, $0x1;
	_ =	strace $0x80000046;
	[dreg:$0x1] =	wrdreg $0xFFFFFFFF  }
0xa9: {  	s28 =	simm.s32 $_size_execute0_lowered;
	s5 =	sadd.s32 s5, s6;
	[dreg:$0x0] =	wrdreg $0x0  }
0xaa: {  	s6 =	sshll.u32 s28, $0x1;
	[dreg:$0x2] =	wrdreg s5  }
0xab: {  	[dreg:$0x3] =	wrdreg s6  }
0xac: {  	[dreg:$0x4] =	wrdreg $0xC0  }
0xad: {  	_ =	task [dreg:s9], $0x5FFFF  }
0xae: {  	[dreg:$0x1] =	wrdreg $0xFFFFFFFF  }
0xaf: {  	[dreg:$0x0] =	wrdreg $0x60  }
0xb0: {  	[dreg:$0x2] =	wrdreg s2  }
0xb1: {  	[dreg:$0x3] =	wrdreg s19  }
0xb2: {  	[dreg:$0x4] =	wrdreg s4  }
0xb3: {  	[dreg:$0x5] =	wrdreg $0x9  }
0xb4: {  	_ =	task.clear_ibuf [dreg:s9], $0x6FFFF;
	_ =	strace $0x90000046  }
0xb5: {  	s29 =	simm.s32 $0x9;
	_ =	strace $0x80000048  }
0xb6: {  	_ =	swait.ge [sflag:s29], $0x1  }
0xb7: {  	[sflag:s29] =	ssyncadd.s32 $0xFFFFFFFF  }
0xb8: {  	_ =	strace $0x90000048  }
0xb9: {  	_ =	sfence  }
0xba: {  	s30 =	sld [smem:$0x0];
	_ =	sdelay $0x2  }
0xbb: {  	s31 =	sshll.u32 s1, $0xD;
	s1 =	sshrl.u32 s1, $0x2  }
0xbc: {  	s3 =	sand.u32 $0x4000, s31;
	s1 =	sadd.s32 s1, s30  }
0xbd: {  	s0 =	sor.u32 s3, s0;
	s1 =	sshll.u32 s1, $0x11  }
0xbe: {  	s0 =	sor.u32 s1, s0  }
0xbf: {  	s0 =	sadd.s32 $0x8F2B, s0  }
0xc0: {  	[sflag:s0] =	ssyncadd.remote.s32 $0x1  }
0xc1: {  	_ =	sfence.sel $0xFFFF  }
0xc2: {  	[dreg:$0x0] =	wrdreg $0xFFFFFFFF;
	(pc) =	sbr.abs _section_cstart, $3  }
0xc3: {  	[dreg:$0x1] =	wrdreg $0xFFFFFFFF  }
0xc4: {  	_ =	task.clear_ibuf [dreg:s9], $0x2FFFF;
	_ =	strace $0x9FFFFFFF  }
0xc5: {  	(tm) =	ssettm $0x7FFFFFFF  }
tec
execute0_lowered:
.L_overlay_start_1:
0x0: {  	(tag) =	ssettag $0x1  }
0x1: {  	s4 =	rddreg [dreg:$0x0]  }
0x2: {  	s1 =	srdreg.scid;
	s2 =	rddreg [dreg:$0x1]  }
0x3: {  	s0 =	stileid.u32;
	s8 =	rddreg [dreg:$0x2]  }
0x4: {  	s3 =	simm.s32 $0x0;
	s15 =	simm.s32 $0xF000;
	s16 =	simm.s32 $0x180  }
0x5: {  	s17 =	simm.s32 $0x13000;
	s18 =	simm.s32 $0x1;
	s19 =	simm.s32 $0x2  }
0x6: {  	s20 =	simm.s32 $0x3;
	s21 =	simm.s32 $0x4;
	s11 =	smul.u32 $0x700000, s0  }
0x7: {  	s22 =	simm.s32 $0x0;
	s6 =	sand.u32 $0x1, s1;
	s13 =	smul.u32 $0xE0000, s0  }
0x8: {  	s26 =	sshll.u32 s0, $0x1;
	s1 =	rddreg [dreg:$0x3];
	s28 =	smul.u32 $0x380000, s6  }
0x9: {  	[smem:$0x7FF] =	sst s3;
	s5 =	sor.u32 s6, s26;
	s14 =	smul.u32 $0x70000, s6  }
0xa: {  	s9 =	ssub.s32 $0x2, s6;
	_ =	strace $0x80000047;
	s7 =	smul.u32 $0x7000, s5  }
0xb: {  	s5 =	smul.u32 $0x380000, s5;
	s10 =	sshrl.u32 s9, $0x1;
	s29 =	sadd.s32 s13, s8  }
0xc: {  	s13 =	simm.s32 $0xB000;
	s9 =	ssub.s32 s9, s10;
	s10 =	sadd.s32 s28, s11  }
0xd: {  	s31 =	sadd.s32 s14, s29;
	s11 =	simm.s32 $0x80;
	s14 =	simm.s32 $0x100  }
0xe: {  	s5 =	sshrl.u32 s5, $0x3;
	s7 =	sshrl.u32 s7, $0x3;
	s30 =	sshrl.u32 s10, $0x3  }
0xf: {  	s10 =	simm.s32 $0x5;
	s12 =	sadd.s32 s8, s5;
	s4 =	sadd.s32 s4, s7  }
0x10: {  	s7 =	smax.u32 s9, $0x1;
	s8 =	sadd.s32 s30, s8;
	s9 =	sadd.s32 $0x1000, s31  }
0x11: {  	s5 =	sadd.s32 $0x6E000, s12;
	s6 =	sadd.s32 $0x6F000, s12;
	s12 =	simm.s32 $0x7000  }
.LBB2_1:
0x12: {  	[tilespmem:s3], [sflag:$0x5] =	stream.linear.gather [hbm4b:s4+s3], $0x7000, $0x38;
	[tilespmem:$0x17000] =	vst v63  }
0x13: {  	_ =	swait.ge [sflag:s10], $0x7000  }
0x14: {  	[sflag:s10] =	ssyncset.done $0x0  }
0x15: {  	[sflag:s10] =	ssyncadd.s32 $0xFFFF9000  }
0x16: {  	[tilespmem:s12], [sflag:$0x1] =	stream.indirect.gather [hbm4b:s2+s11], $0x80, s3, s11, $0xb8;
	[tilespmem:$0x17000] =	vst v63  }
0x17: {  	_ = 	snop  }
0x18: {  	[tilespmem:s13], [sflag:$0x1] =	stream.indirect.gather [hbm4b:s2+s11], $0x80, s11, s11, $0xb8;
	[tilespmem:$0x17000] =	vst v63  }
0x19: {  	_ = 	snop  }
0x1a: {  	[tilespmem:s15], [sflag:$0x2] =	stream.indirect.gather [hbm4b:s2+s11], $0x80, s14, s11, $0xb8;
	[tilespmem:$0x17000] =	vst v63  }
0x1b: {  	_ = 	snop  }
0x1c: {  	[tilespmem:s17], [sflag:$0x2] =	stream.indirect.gather [hbm4b:s2+s11], $0x80, s16, s11, $0xb8;
	[tilespmem:$0x17000] =	vst v63  }
0x1d: {  	_ =	swait.ge [sflag:s18], $0x8000  }
0x1e: {  	[sflag:s18] =	ssyncset.done $0x0  }
0x1f: {  	[sflag:s18] =	ssyncadd.s32 $0xFFFF8000  }
0x20: {  	[hbm4b:s8+s3] =	stream.linear.scatter [tilespmem:s12], [sflag:$0x3], $0x8000, $0x38;
	[tilespmem:$0x17000] =	vst v63  }
0x21: {  	_ =	swait.ge [sflag:s19], $0x8000  }
0x22: {  	[sflag:s19] =	ssyncset.done $0x0  }
0x23: {  	[sflag:s19] =	ssyncadd.s32 $0xFFFF8000  }
0x24: {  	[hbm4b:s9+s3] =	stream.linear.scatter [tilespmem:s15], [sflag:$0x4], $0x8000, $0x38;
	[tilespmem:$0x17000] =	vst v63  }
0x25: {  	_ =	swait.ge [sflag:s20], $0x8000  }
0x26: {  	[sflag:s20] =	ssyncset.done $0x0  }
0x27: {  	s23 =	simm.s32 $0x200;
	[sflag:s20] =	ssyncadd.s32 $0xFFFF8000  }
0x28: {  	[tilespmem:s12], [sflag:$0x1] =	stream.indirect.gather [hbm4b:s2+s11], $0x80, s23, s11, $0xb8;
	[tilespmem:$0x17000] =	vst v63  }
0x29: {  	s30 =	simm.s32 $0x280  }
0x2a: {  	[tilespmem:s13], [sflag:$0x1] =	stream.indirect.gather [hbm4b:s2+s11], $0x80, s30, s11, $0xb8;
	[tilespmem:$0x17000] =	vst v63  }
0x2b: {  	s31 =	simm.s32 $0x300;
	_ =	swait.ge [sflag:s21], $0x8000  }
0x2c: {  	s26 =	simm.s32 $0x380;
	s24 =	sadd.s32 $0x2000, s8;
	[sflag:s21] =	ssyncset.done $0x0  }
0x2d: {  	s25 =	sadd.s32 $0x2000, s9;
	s23 =	simm.s32 $0x800;
	[sflag:s21] =	ssyncadd.s32 $0xFFFF8000  }
0x2e: {  	[tilespmem:s15], [sflag:$0x2] =	stream.indirect.gather [hbm4b:s2+s11], $0x80, s31, s11, $0xb8;
	[tilespmem:$0x17000] =	vst v63  }
.LBB2_2:
0x2f: {  	[tilespmem:s17], [sflag:$0x2] =	stream.indirect.gather [hbm4b:s2+s11], $0x80, s26, s11, $0xb8;
	[tilespmem:$0x17000] =	vst v63  }
0x30: {  	s26 =	smov.u32 s23  }
0x31: {  	p0 =	sne.s32 s23, $0x1B000;
	s23 =	sadd.s32 $0x800, s23;
	_ =	swait.ge [sflag:s18], $0x8000  }
0x32: {  	[sflag:s18] =	ssyncset.done $0x0  }
0x33: {  	[sflag:s18] =	ssyncadd.s32 $0xFFFF8000  }
0x34: {  	[hbm4b:s24+s3] =	stream.linear.scatter [tilespmem:s12], [sflag:$0x3], $0x8000, $0x38;
	[tilespmem:$0x17000] =	vst v63  }
0x35: {  	_ =	swait.ge [sflag:s19], $0x8000  }
0x36: {  	[sflag:s19] =	ssyncset.done $0x0  }
0x37: {  	[sflag:s19] =	ssyncadd.s32 $0xFFFF8000  }
0x38: {  	[hbm4b:s25+s3] =	stream.linear.scatter [tilespmem:s15], [sflag:$0x4], $0x8000, $0x38;
	[tilespmem:$0x17000] =	vst v63  }
0x39: {  	_ =	swait.ge [sflag:s20], $0x8000  }
0x3a: {  	s26 =	sshra.s32 s26, $0x2;
	[sflag:s20] =	ssyncset.done $0x0  }
0x3b: {  	s28 =	sadd.s32 $0x200, s26;
	[sflag:s20] =	ssyncadd.s32 $0xFFFF8000  }
0x3c: {  	[tilespmem:s12], [sflag:$0x1] =	stream.indirect.gather [hbm4b:s2+s11], $0x80, s28, s11, $0xb8;
	[tilespmem:$0x17000] =	vst v63  }
0x3d: {  	s28 =	sadd.s32 $0x280, s26  }
0x3e: {  	[tilespmem:s13], [sflag:$0x1] =	stream.indirect.gather [hbm4b:s2+s11], $0x80, s28, s11, $0xb8;
	[tilespmem:$0x17000] =	vst v63  }
.Ltmp0:
0x3f: {  	_ =	swait.ge [sflag:s21], $0x8000;
	(pc) =	sbr.rel @p0 .LBB2_2-.Ltmp0, $4  }
0x40: {  	[sflag:s21] =	ssyncset.done $0x0  }
0x41: {  	s28 =	sadd.s32 $0x300, s26;
	[sflag:s21] =	ssyncadd.s32 $0xFFFF8000  }
0x42: {  	[tilespmem:s15], [sflag:$0x2] =	stream.indirect.gather [hbm4b:s2+s11], $0x80, s28, s11, $0xb8;
	[tilespmem:$0x17000] =	vst v63  }
0x43: {  	s24 =	sadd.s32 $0x2000, s24;
	s25 =	sadd.s32 $0x2000, s25;
	s26 =	sadd.s32 $0x380, s26  }
0x44: {  	[tilespmem:s17], [sflag:$0x2] =	stream.indirect.gather [hbm4b:s2+s11], $0x80, s26, s11, $0xb8;
	[tilespmem:$0x17000] =	vst v63  }
0x45: {  	_ =	swait.ge [sflag:s18], $0x8000  }
0x46: {  	[sflag:s18] =	ssyncset.done $0x0  }
0x47: {  	[sflag:s18] =	ssyncadd.s32 $0xFFFF8000  }
0x48: {  	[hbm4b:s5+s3] =	stream.linear.scatter [tilespmem:s12], [sflag:$0x3], $0x8000, $0x38;
	[tilespmem:$0x17000] =	vst v63  }
0x49: {  	_ =	swait.ge [sflag:s19], $0x8000  }
0x4a: {  	[sflag:s19] =	ssyncset.done $0x0  }
0x4b: {  	s22 =	sadd.s32 $0x1, s22;
	[sflag:s19] =	ssyncadd.s32 $0xFFFF8000  }
0x4c: {  	[hbm4b:s6+s3] =	stream.linear.scatter [tilespmem:s15], [sflag:$0x4], $0x8000, $0x38;
	[tilespmem:$0x17000] =	vst v63  }
0x4d: {  	p0 =	sne.s32 s22, s7;
	_ =	swait.ge [sflag:s20], $0x8000  }
.Ltmp1:
0x4e: {  	[sflag:s20] =	ssyncset.done $0x0;
	(pc) =	sbr.rel @p0 .LBB2_1-.Ltmp1, $4  }
0x4f: {  	[sflag:s20] =	ssyncadd.s32 $0xFFFF8000  }
0x50: {  	_ =	swait.ge [sflag:s21], $0x8000  }
0x51: {  	[sflag:s21] =	ssyncset.done $0x0  }
0x52: {  	[sflag:s21] =	ssyncadd.s32 $0xFFFF8000  }
0x53: {  	_ =	sfence.sel $0x180000  }
0x54: {  	[bflag:$0x0] =	sbarrier.arrive $0xFFFF  }
0x55: {  	p0 =	sne.s32 s0, $0x0;
	_ =	strace $0x90000047  }
0x56: {  	s0 =	sadd.s32 @!p0 $0x100000, s1;
	[bflag:$0x2] =	sbarrier.arrive $0xFFFF  }
0x57: {  	[sflag:s0] =	ssyncadd.tile.s32 @!p0 $0x1;
	_ =	shalt  }
.Lfunc_end2:
_tile_overlayer_lowered:
.L_overlay_start_2:
0x58: {  	(tag) =	ssettag $0x2  }
0x59: {  	s0 =	rddreg [dreg:$0x0];
	s2 =	stileid.u32  }
0x5a: {  	s1 =	rddreg [dreg:$0x1];
	p0 =	sne.s32 s2, $0x0  }
0x5b: {  	s3 =	rddreg [dreg:$0x2];
	[bflag:$0x3] =	sbarrier.arrive $0xFFFF;
	s2 =	simm.s32 @!p0 $0x1C05  }
0x5c: {  	[timem:s3], [sflag:s2] =	dma.local @!p0 [hbm:s0], s1  }
0x5d: {  	s0 =	simm.s32 @!p0 $0x5  }
0x5e: {  	_ =	swait.ge @!p0 [sflag:s0], s1  }
0x5f: {  	s1 =	ssub.s32 @!p0 $0x0, s1;
	[sflag:s0] =	ssyncset.done @!p0 $0x0  }
0x60: {  	[sflag:s0] =	ssyncadd.s32 @!p0 s1  }
0x61: {  	[bflag:$0x3] =	sbarrier.arrive $0xFFFF  }
0x62: {  	_ =	shalt  }

</sc_bundles>
